<compile_context>
chip_gen: v7x
topology: tpu7x:2x2x1
jax: 0.10.2.dev20260603
libtpu: 0.0.44.dev20260713+nightly
codegen_flags: <defaults>
</compile_context>

<pallas_src>
import functools

import jax
import jax.numpy as jnp
from jax.experimental import pallas as pl
from jax.experimental.pallas import tpu as pltpu

TOPK = 10
CHUNK = 128
BLK = 16384
J = 12
NEG = -3.0e38


def _qnorm(q):
    n = jnp.sqrt(jnp.sum(q * q, axis=1, keepdims=True))
    return q / (n + 1e-8)


def _sims(qn, kb):
    ss = jnp.sum(kb * kb, axis=1, keepdims=True)
    kn = kb / (jnp.sqrt(ss) + 1e-8)
    return jax.lax.dot_general(
        qn, kn, (((1,), (1,)), ((), ())),
        preferred_element_type=jnp.float32)


def _phase1_kernel(q_ref, k_ref, bmax_ref):
    bmax_ref[...] = jnp.zeros((64, BLK // CHUNK), jnp.float32) + k_ref[0, 0]


def _phaseB_kernel(bmax_ref, q_ref, t_ref, ids_ref, *, gmain, tail_len):
    bm = bmax_ref[...]
    qn = _qnorm(q_ref[...])
    simt = _sims(qn, t_ref[...])
    tcol = jax.lax.broadcasted_iota(jnp.int32, (1, simt.shape[1]), 1)
    simt = jnp.where(tcol < tail_len, simt, NEG)
    tg = simt.shape[1] // CHUNK
    bt = jnp.max(simt.reshape(simt.shape[0], tg, CHUNK), axis=2)

    gid_m = jax.lax.broadcasted_iota(jnp.int32, bm.shape, 1)
    gid_t = jax.lax.broadcasted_iota(jnp.int32, bt.shape, 1) + gmain
    lane = jax.lax.broadcasted_iota(jnp.int32, ids_ref.shape, 1)
    ids = jnp.zeros(ids_ref.shape, jnp.int32)
    for j in range(J):
        m = jnp.maximum(jnp.max(bm, axis=1, keepdims=True),
                        jnp.max(bt, axis=1, keepdims=True))
        sel = jnp.minimum(
            jnp.min(jnp.where(bm == m, gid_m, 2**30), axis=1, keepdims=True),
            jnp.min(jnp.where(bt == m, gid_t, 2**30), axis=1, keepdims=True))
        ids = jnp.where(lane == j, sel, ids)
        bm = jnp.where(gid_m == sel, NEG, bm)
        bt = jnp.where(gid_t == sel, NEG, bt)
    ids_ref[...] = ids


def _phase2_kernel(ids_ref, q_ref, *rest, gmain, n_real):
    km = rest[:J]
    kt = rest[J:2 * J]
    so_ref, io_ref = rest[2 * J], rest[2 * J + 1]
    t = pl.program_id(0)
    qn = _qnorm(q_ref[...])
    row = jax.lax.broadcasted_iota(jnp.int32, qn.shape, 0)
    qsel = jnp.max(jnp.where(row == t, qn, NEG), axis=0,
                   keepdims=True)
    sims = []
    cols = []
    ci = jax.lax.broadcasted_iota(jnp.int32, (1, CHUNK), 1)
    for j in range(J):
        idj = ids_ref[t * J + j]
        kb = jnp.where(idj >= gmain, kt[j][...], km[j][...])
        col = ci + idj * CHUNK
        sims.append(jnp.where(col < n_real, _sims(qsel, kb), NEG))
        cols.append(col)
    s = jnp.concatenate(sims, axis=1)
    idx = jnp.concatenate(cols, axis=1)
    lane = jax.lax.broadcasted_iota(jnp.int32, (1, CHUNK), 1)
    so = jnp.full((1, CHUNK), NEG, jnp.float32)
    io = jnp.zeros((1, CHUNK), jnp.int32)
    for r in range(TOPK):
        m = jnp.max(s, axis=1, keepdims=True)
        mi = jnp.min(jnp.where(s == m, idx, 2**30), axis=1,
                     keepdims=True)
        so = jnp.where(lane == r, m, so)
        io = jnp.where(lane == r, mi, io)
        s = jnp.where(idx == mi, NEG, s)
    so_ref[...] = so.reshape(1, 1, CHUNK)
    io_ref[...] = io.reshape(1, 1, CHUNK)


def kernel(queries, keys):
    q, d = queries.shape
    n, _ = keys.shape
    nmain = (n // BLK) * BLK
    nblk = nmain // BLK
    gmain = nmain // CHUNK
    tail_len = n - nmain
    tg = max(1, -(-tail_len // CHUNK))
    tpad = jnp.pad(keys[nmain:], ((0, tg * CHUNK - tail_len), (0, 0)))

    keys2 = keys[:nmain].reshape(nmain // 2, 2 * d)
    bmax = pl.pallas_call(
        _phase1_kernel,
        grid=(nblk,),
        in_specs=[
            pl.BlockSpec((q, d), lambda i: (0, 0)),
            pl.BlockSpec((BLK // 2, 2 * d), lambda i: (i, 0)),
        ],
        out_specs=pl.BlockSpec((q, BLK // CHUNK), lambda i: (0, i)),
        out_shape=jax.ShapeDtypeStruct((q, gmain), jnp.float32),
    )(queries, keys2)

    return bmax[:, :TOPK], bmax[:, :TOPK].astype(jnp.int32)
    ids_mat = pl.pallas_call(
        functools.partial(_phaseB_kernel, gmain=gmain, tail_len=tail_len),
        out_shape=jax.ShapeDtypeStruct((q, 128), jnp.int32),
    )(bmax, queries, tpad)
    ids_flat = ids_mat[:, :J].reshape(-1)

    main_spec = [
        pl.BlockSpec(
            (CHUNK, d),
            functools.partial(
                lambda t, ids, jj: (jnp.minimum(ids[t * J + jj], gmain - 1), 0),
                jj=j))
        for j in range(J)
    ]
    tail_spec = [
        pl.BlockSpec(
            (CHUNK, d),
            functools.partial(
                lambda t, ids, jj: (jnp.clip(ids[t * J + jj] - gmain, 0, tg - 1), 0),
                jj=j))
        for j in range(J)
    ]
    so3, io3 = pl.pallas_call(
        functools.partial(_phase2_kernel, gmain=gmain, n_real=n),
        grid_spec=pltpu.PrefetchScalarGridSpec(
            num_scalar_prefetch=1,
            grid=(q,),
            in_specs=[pl.BlockSpec((q, d), lambda t, ids: (0, 0))]
                     + main_spec + tail_spec,
            out_specs=[
                pl.BlockSpec((1, 1, CHUNK), lambda t, ids: (t, 0, 0)),
                pl.BlockSpec((1, 1, CHUNK), lambda t, ids: (t, 0, 0)),
            ],
        ),
        out_shape=[
            jax.ShapeDtypeStruct((q, 1, CHUNK), jnp.float32),
            jax.ShapeDtypeStruct((q, 1, CHUNK), jnp.int32),
        ],
    )(ids_flat, queries, *([keys] * J), *([tpad] * J))

    return so3.reshape(q, CHUNK)[:, :TOPK], io3.reshape(q, CHUNK)[:, :TOPK]

# --- scband reference (transcript-rebuilt; emitter-appended) ---
"""Pipeline reference for scband-ragmodule-18356690223140 (READ-ONLY COPY).

The authoritative reference and input builder live on the scoring server;
editing this copy changes nothing except your own understanding.
"""

import jax, jax.numpy as jnp
import numpy as np

TOP_K = 10

def setup_inputs(seed: int = 0) -> dict:
    key = jax.random.key(seed)
    k1, k2 = jax.random.split(key)
    queries = jax.random.normal(k1, (64, 64), dtype=jnp.float32)
    keys = jax.random.normal(k2, (1000000, 64), dtype=jnp.float32)
    return {"queries": queries, "keys": keys}

def reference(queries, keys):
    # Faithful translation of FAISSIndex/NumpyIndex search used by RAGModule:
    # L2-normalize both sides (IndexFlatIP after normalize_L2 == cosine similarity),
    # brute-force inner product, then top-k by score.
    q_norm = queries / (jnp.linalg.norm(queries, axis=-1, keepdims=True) + 1e-08)
    k_norm = keys / (jnp.linalg.norm(keys, axis=-1, keepdims=True) + 1e-08)
    similarities = jnp.dot(q_norm, k_norm.T)  # [Q, K]
    scores, indices = jax.lax.top_k(similarities, TOP_K)
    return scores, indices

if __name__ == "__main__":
    import jax
    _d = setup_inputs()
    print(jax.jit(kernel)(*tuple(_d.values())))

</pallas_src>

<mosaic_0001>
module attributes {stable_mosaic.version = 14 : i64} {
  func.func @_phase1_kernel(%arg0: i32, %arg1: memref<64x64xf32, #tpu.memory_space<vmem>>, %arg2: memref<8192x128xf32, #tpu.memory_space<vmem>>, %arg3: memref<64x128xf32, #tpu.memory_space<vmem>>) attributes {dimension_semantics = [#tpu.dimension_semantics<arbitrary>], iteration_bounds = array<i64: 61>, scalar_prefetch = 0 : i64, scratch_operands = 0 : i64, tpu.core_type = #tpu.core_type<tc>, window_params = [{pipeline_mode = #tpu.pipeline_mode<synchronous>, transform_indices = @transform_0, window_bounds = array<i64: 64, 64>}, {transform_indices = @transform_1, window_bounds = array<i64: 8192, 128>}, {transform_indices = @transform_2, window_bounds = array<i64: 64, 128>}]} {
    %broadcast_in_dim3A = arith.constant 0.000000e+00 : f32
    %broadcast_in_dim3A_0 = vector.broadcast %broadcast_in_dim3A : f32 to vector<64x128xf32>
    %get3A = arith.constant 0 : index
    %get3A_1 = arith.constant 0 : index
    %get3A_2 = vector.load %arg2[%get3A, %get3A_1] : memref<8192x128xf32, #tpu.memory_space<vmem>>, vector<1x1xf32>
    %get3A_3 = vector.extract %get3A_2[0, 0] : f32 from vector<1x1xf32>
    %add3A = vector.broadcast %get3A_3 : f32 to vector<64x128xf32>
    %add3A_4 = arith.addf %broadcast_in_dim3A_0, %add3A : vector<64x128xf32>
    %swap3A = arith.constant 0 : index
    %swap3A_5 = arith.constant 0 : index
    %swap3A_6 = vector.load %arg3[%swap3A, %swap3A_5] : memref<64x128xf32, #tpu.memory_space<vmem>>, vector<64x128xf32>
    tpu.vector_store %arg3[%swap3A, %swap3A_5], %add3A_4 {strides = array<i32>} : memref<64x128xf32, #tpu.memory_space<vmem>>, vector<64x128xf32>,
    return
  }
  func.func @transform_0(%arg0: i32) -> (i32, i32) {
    %c0_i32 = arith.constant 0 : i32
    %c0_i32_0 = arith.constant 0 : i32
    %c0_i32_1 = arith.constant 0 : i32
    return %c0_i32, %c0_i32_0 : i32, i32
  }
  func.func @transform_1(%arg0: i32) -> (i32, i32) {
    %c0_i32 = arith.constant 0 : i32
    %c0_i32_0 = arith.constant 0 : i32
    return %arg0, %c0_i32 : i32, i32
  }
  func.func @transform_2(%arg0: i32) -> (i32, i32) {
    %c0_i32 = arith.constant 0 : i32
    %c0_i32_0 = arith.constant 0 : i32
    return %c0_i32, %arg0 : i32, i32
  }
}

</mosaic_0001>

<sc_bundles>
// kernel: sparse-core-data-format-call.cloned.1.call-start
scs
called_computation_lowered:
.L_overlay_start_0:
0x0: {  	s1 =	sld [smem:$0x3FD9]  }
0x1: {  	s2 =	sld [smem:$0x3FFE];
	_ =	sdelay $0x1  }
0x2: {  	s3 =	srdreg.scid  }
0x3: {  	s0 =	sand.u32 $0x1, s3  }
0x4: {  	s17 =	sshll.u32 s0, $0xA;
	s1 =	sadd.s32 s2, s1  }
0x5: {  	s1 =	sadd.s32 s1, s17  }
0x6: {  	[smem:$0x3FC6] =	sst s1  }
0x7: {  	_ = 	snop  }
0x8: {  	(tm) =	ssettm $0x1  }
0x9: {  	s18 =	sld [smem:$0x3FFB];
	_ =	sdelay $0x3  }
0xa: {  	_ =	strace s18  }
0xb: {  	s1 =	sld [smem:$0x3FFC];
	_ =	sdelay $0x3  }
0xc: {  	_ =	strace s1  }
0xd: {  	s1 =	sld [smem:$0x3FFD];
	_ =	sdelay $0x3  }
0xe: {  	_ =	strace s1  }
0xf: {  	_ =	strace $0x8FFFFFFF  }
0x10: {  	s19 =	sld [smem:$0x3FDB];
	_ =	sdelay $0x1  }
0x11: {  	s20 =	simm.s32 $_scs_section_size  }
0x12: {  	s4 =	simm.s32 $_size__tile_overlayer_lowered;
	s5 =	simm.s32 $_tile_overlayer_lowered  }
0x13: {  	s23 =	simm.s32 $0x1BFF;
	s22 =	sshll.u32 s5, $0x1;
	s1 =	sadd.s32 s20, s19  }
0x14: {  	s6 =	simm.s32 $0x0;
	s21 =	sshll.u32 s4, $0x1;
	s4 =	sadd.s32 s22, s1  }
0x15: {  	[timem:s6], [sflag:s23] =	dma.local [hbm:s4], s21  }
0x16: {  	_ =	swait.ge [sflag:s23], s21  }
0x17: {  	s2 =	ssub.s32 $0x0, s21;
	[sflag:s23] =	ssyncset.done $0x0  }
0x18: {  	[sflag:s23] =	ssyncadd.s32 s2;
	_ =	sdelay $0x1  }
0x19: {  	s24 =	simm.s32 $0x1B8B  }
0x1a: {  	_ =	swait.ge [sflag:s24], $0x1  }
0x1b: {  	[sflag:s24] =	ssyncset.done $0x0  }
0x1c: {  	s26 =	simm.s32 $0x1B8E;
	s25 =	sld [smem:$0x3FFE];
	[sflag:s24] =	ssyncadd.s32 $0xFFFFFFFF  }
0x1d: {  	s27 =	simm.s32 $execute0_lowered;
	[smem:$0x3FD2] =	sst s26  }
0x1e: {  	s4 =	sshll.u32 s27, $0x1;
	_ =	strace $0x80000046;
	[dreg:$0x1] =	wrdreg $0xFFFFFFFF  }
0x1f: {  	s28 =	simm.s32 $_size_execute0_lowered;
	s1 =	sadd.s32 s1, s4;
	[dreg:$0x0] =	wrdreg $0x0  }
0x20: {  	s4 =	sshll.u32 s28, $0x1;
	[dreg:$0x2] =	wrdreg s1  }
0x21: {  	[dreg:$0x3] =	wrdreg s4  }
0x22: {  	[dreg:$0x4] =	wrdreg $0xC0  }
0x23: {  	_ =	task [dreg:s6], $0x5FFFF  }
0x24: {  	[dreg:$0x1] =	wrdreg $0xFFFFFFFF  }
0x25: {  	[dreg:$0x0] =	wrdreg $0x60  }
0x26: {  	[dreg:$0x2] =	wrdreg s25  }
0x27: {  	[dreg:$0x3] =	wrdreg $0x9  }
0x28: {  	_ =	task.clear_ibuf [dreg:s6], $0x4FFFF;
	_ =	strace $0x90000046  }
0x29: {  	s29 =	simm.s32 $0x9;
	_ =	strace $0x80000048  }
0x2a: {  	_ =	swait.ge [sflag:s29], $0x1  }
0x2b: {  	[sflag:s29] =	ssyncadd.s32 $0xFFFFFFFF  }
0x2c: {  	_ =	strace $0x90000048  }
0x2d: {  	_ =	sfence  }
0x2e: {  	s30 =	sld [smem:$0x0];
	_ =	sdelay $0x2  }
0x2f: {  	s31 =	sshll.u32 s3, $0xD;
	s3 =	sshrl.u32 s3, $0x2  }
0x30: {  	s2 =	sand.u32 $0x4000, s31;
	s1 =	sadd.s32 s3, s30  }
0x31: {  	s0 =	sor.u32 s2, s0;
	s1 =	sshll.u32 s1, $0x11  }
0x32: {  	s0 =	sor.u32 s1, s0  }
0x33: {  	s0 =	sadd.s32 $0x8F2B, s0  }
0x34: {  	[sflag:s0] =	ssyncadd.remote.s32 $0x1  }
0x35: {  	_ =	sfence.sel $0xFFFF  }
0x36: {  	[dreg:$0x0] =	wrdreg $0xFFFFFFFF;
	(pc) =	sbr.abs _section_cstart, $3  }
0x37: {  	[dreg:$0x1] =	wrdreg $0xFFFFFFFF  }
0x38: {  	_ =	task.clear_ibuf [dreg:s6], $0x2FFFF;
	_ =	strace $0x9FFFFFFF  }
0x39: {  	(tm) =	ssettm $0x7FFFFFFF  }
tec
execute0_lowered:
.L_overlay_start_1:
0x0: {  	(tag) =	ssettag $0x1  }
0x1: {  	s0 =	srdreg.scid  }
0x2: {  	s6 =	rddreg [dreg:$0x0];
	s7 =	simm.s32 $0x1;
	s1 =	sshll.u32 s0, $0x4  }
0x3: {  	s8 =	simm.s32 $0x2;
	s0 =	stileid.u32;
	s1 =	sand.u32 $0x10, s1  }
0x4: {  	s13 =	simm.s32 $0x0;
	s12 =	simm.s32 $0x0;
	s1 =	sor.u32 s0, s1  }
0x5: {  	s10 =	simm.s32 $0x0;
	s11 =	simm.s32 $0x0;
	s2 =	sshll.u32 s1, $0x8  }
0x6: {  	s3 =	sadd.s32 $0x800, s6;
	s6 =	sadd.s32 $0x7A0800, s6;
	s5 =	ssub.s32 $0xF4000, s2  }
.Ltmp0:
0x7: {  	s1 =	rddreg [dreg:$0x1];
	s4 =	sand.u32 $0x1F00, s5;
	(pc) =	sbr.rel .LBB1_1-.Ltmp0, $4  }
0x8: {  	_ =	strace $0x80000047;
	s9 =	smov.u32 s2;
	p0 =	sne.s32 s4, $0x0  }
0x9: {  	s5 =	sshrl.u32 s5, $0xD;
	s4 =	simm.s32 $0x1;
	s7 =	simm.s32 @!p0 $0x0  }
0xa: {  	[sflag:s4] =	ssyncpa.u1 $0x0;
	p0 =	por $0x0, $0x0;
	s5 =	sadd.s32 s7, s5  }
0xb: {  	[sflag:s8] =	ssyncpa.u1 $0x0;
	s8 =	simm.s32 $0x80;
	s7 =	sadd.s32 $0x1, s5  }
.LBB1_4:
0xc: {  	_ =	sdelay $0x3  }
0xd: {  	s21 =	sor.u32 s24, s23;
	v47 =	vld.idx.msk [tilespmem:v0+s16+$0x470 ss:$0x1], $0xffff  }
0xe: {  	v57 =	vld.idx.msk [tilespmem:v0+s21+$0x410 ss:$0x1], $0xffff  }
0xf: {  	v58 =	vld.idx.msk [tilespmem:v0+s21+$0x420 ss:$0x1], $0xffff  }
0x10: {  	[tilespmem:s18+$0x1860 ss:$0x41] =	vst.msk $0xffff, v8;
	v59 =	vld.idx.msk [tilespmem:v0+s21+$0x430 ss:$0x1], $0xffff  }
0x11: {  	[tilespmem:s18+$0x1C70 ss:$0x41] =	vst.msk $0xffff, v7;
	v60 =	vld.idx.msk [tilespmem:v0+s21+$0x440 ss:$0x1], $0xffff  }
0x12: {  	[tilespmem:s18+$0x2490 ss:$0x41] =	vst.msk $0xffff, v1;
	s22 =	sand.u32 $0x3B00, s21;
	v61 =	vld.idx.msk [tilespmem:v0+s21+$0x450 ss:$0x1], $0xffff  }
0x13: {  	s20 =	sand.u32 $0x80, s20;
	[tilespmem:s18+$0x28A0 ss:$0x41] =	vst.msk $0xffff, v2;
	v62 =	vld.idx.msk [tilespmem:v0+s21+$0x460 ss:$0x1], $0xffff;
	s15 =	sadd.s32 s22, s15  }
0x14: {  	[tilespmem:s18+$0x2CB0 ss:$0x41] =	vst.msk $0xffff, v3;
	v63 =	vld.idx.msk [tilespmem:v0+s21+$0x470 ss:$0x1], $0xffff;
	s15 =	sadd.s32 s20, s15  }
0x15: {  	[tilespmem:s18+$0x30C0 ss:$0x41] =	vst.msk $0xffff, v4;
	v48 =	vld [tilespmem:s15+$0x400]  }
0x16: {  	[tilespmem:s18+$0x34D0 ss:$0x41] =	vst.msk $0xffff, v5;
	v49 =	vld [tilespmem:s15+$0x0]  }
0x17: {  	s25 =	sshra.s32 s19, $0x2;
	[tilespmem:s18+$0x38E0 ss:$0x41] =	vst.msk $0xffff, v6;
	v50 =	vld [tilespmem:s15+$0x10]  }
0x18: {  	s16 =	sadd.s32 s25, s17;
	v51 =	vld [tilespmem:s15+$0x20];
	[tilespmem:s18+$0x3CF0 ss:$0x41] =	vst.msk $0xffff, v47  }
0x19: {  	v52 =	vld [tilespmem:s15+$0x30];
	[tilespmem:s16+$0x2490 ss:$0x41] =	vst.msk $0xffff, v57  }
0x1a: {  	v53 =	vld [tilespmem:s15+$0x40];
	[tilespmem:s16+$0x28A0 ss:$0x41] =	vst.msk $0xffff, v58  }
0x1b: {  	v54 =	vld [tilespmem:s15+$0x50];
	[tilespmem:s16+$0x2CB0 ss:$0x41] =	vst.msk $0xffff, v59  }
0x1c: {  	s13 =	sshll.u32 s13, $0x7;
	s26 =	sshll.u32 s12, $0x3;
	v55 =	vld [tilespmem:s15+$0x60];
	[tilespmem:s16+$0x30C0 ss:$0x41] =	vst.msk $0xffff, v60  }
0x1d: {  	s27 =	sand.u32 $0xFFFFFC00, s13;
	v56 =	vld [tilespmem:s15+$0x70];
	s15 =	sand.u32 $0xFFFFFC00, s26;
	[tilespmem:s16+$0x34D0 ss:$0x41] =	vst.msk $0xffff, v61  }
0x1e: {  	s13 =	sand.u32 $0x380, s13;
	s15 =	sadd.s32 s15, s27;
	[tilespmem:s16+$0x38E0 ss:$0x41] =	vst.msk $0xffff, v62  }
0x1f: {  	s13 =	sor.u32 s13, s15;
	[tilespmem:s16+$0x3CF0 ss:$0x41] =	vst.msk $0xffff, v63  }
0x20: {  	s13 =	sshrl.u32 s13, $0x7;
	[tilespmem:s16+$0x2080 ss:$0x41] =	vst.msk $0xffff, v48  }
0x21: {  	s28 =	smulhi.u32 $0x10C9715, s13;
	[tilespmem:s16+$0x0 ss:$0x41] =	vst.msk $0xffff, v49  }
0x22: {  	[tilespmem:s16+$0x410 ss:$0x41] =	vst.msk $0xffff, v50  }
0x23: {  	[tilespmem:s16+$0x820 ss:$0x41] =	vst.msk $0xffff, v51;
	s15 =	sshrl.u32 s28, $0xC  }
0x24: {  	[tilespmem:s16+$0xC30 ss:$0x41] =	vst.msk $0xffff, v52;
	s15 =	smul.u32 $0xF4000, s15  }
0x25: {  	s29 =	sshrl.u32 s12, $0x3;
	[tilespmem:s16+$0x1040 ss:$0x41] =	vst.msk $0xffff, v53  }
0x26: {  	s31 =	sand.u32 $0x7, s12;
	s30 =	sand.u32 $0xF, s29;
	[tilespmem:s16+$0x1450 ss:$0x41] =	vst.msk $0xffff, v54;
	s13 =	ssub.s32 s13, s15  }
0x27: {  	s12 =	sshll.u32 s31, $0x12;
	[tilespmem:s16+$0x1860 ss:$0x41] =	vst.msk $0xffff, v55;
	s15 =	sadd.s32 s6, s30;
	s13 =	sshll.u32 s13, $0x4  }
0x28: {  	s12 =	sor.u32 $0x40, s12;
	[tilespmem:s16+$0x1C70 ss:$0x41] =	vst.msk $0xffff, v56;
	s13 =	sadd.s32 s13, s15  }
0x29: {  	[hbm4b:s13+s12] =	stream.strided.scatter [tilespmem:s14], [sflag:$0x2], $0x4000, s8, s12, $0x18;
	[tilespmem:$0x10200] =	vst v63  }
.LBB1_5:
0x2a: {  	s14 =	sadd.s32 $0x2000, s9  }
0x2b: {  	s12 =	sadd.s32 $0x40, s10;
	s16 =	smov.u32 s10;
	p2 =	sgt.s32 s14, $0xF3FFF  }
0x2c: {  	s16 =	smov.u32 @p2 s12  }
0x2d: {  	s14 =	smov.u32 @p2 s2;
	p2 =	sgt.s32 s16, $0x3F  }
0x2e: {  	s16 =	simm.s32 @p2 $0x0;
	p2 =	sne.s32 s11, s7  }
.Ltmp1:
0x2f: {  	p1 =	slt.u32 s11, $0x2;
	(pc) =	sbr.rel @!p2 .LBB1_6-.Ltmp1, $4  }
0x30: {  	s15 =	simm.s32 @!p1 $0x2  }
0x31: {  	s13 =	smov.u32 s9;
	p0 =	por !p0, !p0;
	_ =	swait.ge @!p1 [sflag:s15], $0x4000  }
0x32: {  	s12 =	smov.u32 s10;
	[sflag:s15] =	ssyncset.done @!p1 $0x0;
	s9 =	smov.u32 s14  }
0x33: {  	s11 =	sadd.s32 $0x1, s11;
	[sflag:s15] =	ssyncadd.s32 @!p1 $0xFFFFC000;
	s10 =	smov.u32 s16  }
.LBB1_1:
0x34: {  	p1 =	sge.u32 s11, s5  }
0x35: {  	s14 =	sshrl.u32 @!p1 s10, $0x3  }
0x36: {  	s15 =	sshll.u32 @!p1 s9, $0x3;
	s16 =	sshll.u32 @!p1 s10, $0x7;
	s14 =	smul.u32 @!p1 $0x7A0000, s14  }
0x37: {  	s17 =	sand.u32 @!p1 $0x7F, s9;
	s15 =	sand.u32 @!p1 $0xFFFFFC00, s15;
	s16 =	sand.u32 @!p1 $0x380, s16  }
0x38: {  	s14 =	sadd.s32 @!p1 s14, s15;
	s15 =	sor.u32 @!p1 s17, s16  }
0x39: {  	s15 =	sor.u32 @!p1 s14, s15  }
0x3a: {  	s16 =	smulhi.u32 @!p1 $0x4325C53F, s15;
	_ =	sdelay $0x1  }
0x3b: {  	s14 =	smulhi.u32 @!p1 $0x4325C53F, s14;
	s16 =	sshrl.u32 @!p1 s16, $0x12  }
0x3c: {  	s16 =	smul.u32 @!p1 $0xF4000, s16  }
0x3d: {  	s31 =	sadd.s32 $0xFFFFFFFF, s11;
	s17 =	sxor.u32 @!p1 $0xFFFFFFFF, s11;
	s14 =	sshrl.u32 @!p1 s14, $0x12  }
0x3e: {  	s17 =	sshll.u32 @!p1 s17, $0xE;
	s14 =	sand.u32 @!p1 $0x3F, s14;
	s15 =	ssub.s32 @!p1 s15, s16  }
0x3f: {  	s14 =	smul.u32 @!p1 $0x1E800, s14;
	s16 =	sshrl.u32 @!p1 s15, $0x3;
	s15 =	sand.u32 @!p1 $0x7, s15  }
0x40: {  	s17 =	sand.u32 @!p1 $0x4000, s17;
	s16 =	sadd.s32 @!p1 s3, s16;
	s15 =	sshll.u32 @!p1 s15, $0x12  }
0x41: {  	s14 =	sadd.s32 @!p1 s14, s16;
	s15 =	sor.u32 @!p1 $0x800, s15;
	s16 =	simm.s32 @!p1 $0x7A0000  }
0x42: {  	[tilespmem:s17], [sflag:$0x1] =	stream.strided.gather @!p1 [hbm4b:s14+s15], $0x4000, s16, s15, $0x38;
	[tilespmem:$0x10200] =	vst v63  }
0x43: {  	p1 =	sge.u32 s31, s5  }
.Ltmp2:
0x44: {  	_ = 	snop;
	(pc) =	sbr.rel @p1 .LBB1_5-.Ltmp2, $1  }
0x45: {  	_ =	sdelay $0x3  }
0x46: {  	s17 =	simm.s32 $0x0  }
0x47: {  	s16 =	sand.u32 $0x3800, s17;
	s18 =	sand.u32 $0x380, s17  }
0x48: {  	s14 =	sand.u32 $0x1, s11;
	s16 =	sor.u32 s18, s16  }
0x49: {  	_ =	swait.ge [sflag:s4], $0x4000;
	s15 =	sshll.u32 s14, $0xE;
	s18 =	sand.u32 $0x3B00, s16  }
0x4a: {  	[sflag:s4] =	ssyncset.done $0x0;
	s17 =	sand.u32 $0x80, s17;
	s18 =	sadd.s32 s18, s15  }
0x4b: {  	[sflag:s4] =	ssyncadd.s32 $0xFFFFC000;
	s20 =	sadd.s32 s17, s18  }
0x4c: {  	v4 =	vld [tilespmem:s20+$0x400]  }
0x4d: {  	s19 =	simm.s32 $0x1;
	v5 =	vld [tilespmem:s20+$0x0]  }
0x4e: {  	s19 =	simm.s32 @!p0 $0x0;
	v6 =	vld [tilespmem:s20+$0x10]  }
0x4f: {  	v0 =	vmov s15;
	s31 =	smul.u32 $0x10400, s19;
	v7 =	vld [tilespmem:s20+$0x20]  }
0x50: {  	v9 =	vld [tilespmem:s20+$0x30]  }
0x51: {  	s17 =	sshrl.u32 s31, $0x2;
	v10 =	vld [tilespmem:s20+$0x40]  }
0x52: {  	s17 =	sor.u32 $0x8000, s17;
	v11 =	vld [tilespmem:s20+$0x50]  }
0x53: {  	v8 =	vld [tilespmem:s20+$0x60];
	s18 =	sadd.s32 $0x0, s17  }
0x54: {  	v1 =	vld.idx.msk [tilespmem:v0+s16+$0x410 ss:$0x1], $0xffff;
	[tilespmem:s18+$0x2080 ss:$0x41] =	vst.msk $0xffff, v4  }
0x55: {  	v2 =	vld.idx.msk [tilespmem:v0+s16+$0x420 ss:$0x1], $0xffff;
	[tilespmem:s18+$0x0 ss:$0x41] =	vst.msk $0xffff, v5  }
0x56: {  	v3 =	vld.idx.msk [tilespmem:v0+s16+$0x430 ss:$0x1], $0xffff;
	[tilespmem:s18+$0x410 ss:$0x41] =	vst.msk $0xffff, v6  }
0x57: {  	s14 =	smul.u32 $0x10400, s14;
	[tilespmem:s18+$0x820 ss:$0x41] =	vst.msk $0xffff, v7;
	v7 =	vld [tilespmem:s20+$0x70]  }
0x58: {  	s21 =	simm.s32 $0x100;
	s22 =	simm.s32 $0x8;
	[tilespmem:s18+$0xC30 ss:$0x41] =	vst.msk $0xffff, v9;
	v4 =	vld.idx.msk [tilespmem:v0+s16+$0x440 ss:$0x1], $0xffff  }
0x59: {  	s23 =	sand.u32 $0x3800, s21;
	s14 =	sshrl.u32 s14, $0x2;
	[tilespmem:s18+$0x1040 ss:$0x41] =	vst.msk $0xffff, v10;
	v5 =	vld.idx.msk [tilespmem:v0+s16+$0x450 ss:$0x1], $0xffff;
	s20 =	simm.s32 $0x80  }
0x5a: {  	s19 =	simm.s32 $0x4;
	s14 =	sor.u32 $0x8000, s14;
	[tilespmem:s18+$0x1450 ss:$0x41] =	vst.msk $0xffff, v11;
	v6 =	vld.idx.msk [tilespmem:v0+s16+$0x460 ss:$0x1], $0xffff;
	s24 =	sand.u32 $0x380, s20  }
.LBB1_3:
0x5b: {  	p1 =	sne.s32 s22, $0xFC;
	[tilespmem:s18+$0x1860 ss:$0x41] =	vst.msk $0xffff, v8;
	v8 =	vld.idx.msk [tilespmem:v0+s16+$0x470 ss:$0x1], $0xffff;
	s16 =	sor.u32 s24, s23  }
0x5c: {  	s23 =	sand.u32 $0x3B00, s16;
	v9 =	vld.idx.msk [tilespmem:v0+s16+$0x410 ss:$0x1], $0xffff;
	[tilespmem:s18+$0x1C70 ss:$0x41] =	vst.msk $0xffff, v7  }
0x5d: {  	s24 =	sand.u32 $0x80, s20;
	s23 =	sadd.s32 s23, s15;
	v7 =	vld.idx.msk [tilespmem:v0+s16+$0x420 ss:$0x1], $0xffff;
	[tilespmem:s18+$0x2490 ss:$0x41] =	vst.msk $0xffff, v1  }
0x5e: {  	s23 =	sadd.s32 s24, s23;
	v10 =	vld.idx.msk [tilespmem:v0+s16+$0x430 ss:$0x1], $0xffff;
	[tilespmem:s18+$0x28A0 ss:$0x41] =	vst.msk $0xffff, v2  }
0x5f: {  	v11 =	vld [tilespmem:s23+$0x400];
	[tilespmem:s18+$0x2CB0 ss:$0x41] =	vst.msk $0xffff, v3  }
0x60: {  	v12 =	vld [tilespmem:s23+$0x0];
	[tilespmem:s18+$0x30C0 ss:$0x41] =	vst.msk $0xffff, v4  }
0x61: {  	v4 =	vld [tilespmem:s23+$0x10];
	[tilespmem:s18+$0x34D0 ss:$0x41] =	vst.msk $0xffff, v5  }
0x62: {  	s24 =	sshra.s32 s19, $0x2;
	s19 =	smov.u32 s22;
	v1 =	vmov v9;
	v5 =	vld [tilespmem:s23+$0x20];
	[tilespmem:s18+$0x38E0 ss:$0x41] =	vst.msk $0xffff, v6  }
0x63: {  	v2 =	vmov v7;
	v6 =	vld [tilespmem:s23+$0x30];
	[tilespmem:s18+$0x3CF0 ss:$0x41] =	vst.msk $0xffff, v8;
	s18 =	sadd.s32 s24, s17  }
0x64: {  	v3 =	vmov v10;
	v9 =	vld [tilespmem:s23+$0x40];
	[tilespmem:s18+$0x2080 ss:$0x41] =	vst.msk $0xffff, v11  }
0x65: {  	[tilespmem:s18+$0x0 ss:$0x41] =	vst.msk $0xffff, v12;
	v10 =	vld [tilespmem:s23+$0x50]  }
.Ltmp3:
0x66: {  	[tilespmem:s18+$0x410 ss:$0x41] =	vst.msk $0xffff, v4;
	v8 =	vld [tilespmem:s23+$0x60];
	(pc) =	sbr.rel @p1 .LBB1_3-.Ltmp3, $4  }
0x67: {  	[tilespmem:s18+$0x820 ss:$0x41] =	vst.msk $0xffff, v5;
	v7 =	vld [tilespmem:s23+$0x70]  }
0x68: {  	[tilespmem:s18+$0xC30 ss:$0x41] =	vst.msk $0xffff, v6;
	v4 =	vld.idx.msk [tilespmem:v0+s16+$0x440 ss:$0x1], $0xffff  }
0x69: {  	s20 =	sadd.s32 $0x80, s20;
	s21 =	sadd.s32 $0x100, s21;
	[tilespmem:s18+$0x1040 ss:$0x41] =	vst.msk $0xffff, v9;
	v5 =	vld.idx.msk [tilespmem:v0+s16+$0x450 ss:$0x1], $0xffff  }
0x6a: {  	s22 =	sadd.s32 $0x4, s22;
	s24 =	sand.u32 $0x380, s20;
	s23 =	sand.u32 $0x3800, s21;
	[tilespmem:s18+$0x1450 ss:$0x41] =	vst.msk $0xffff, v10;
	v6 =	vld.idx.msk [tilespmem:v0+s16+$0x460 ss:$0x1], $0xffff  }
.Ltmp4:
0x6b: {  	_ = 	snop;
	(pc) =	sbr.rel .LBB1_4-.Ltmp4, $1  }
0x6c: {  	_ =	sdelay $0x3  }
.LBB1_6:
0x6d: {  	_ =	sfence.sel $0x180000  }
0x6e: {  	s2 =	simm.s32 $0x1;
	[bflag:$0x0] =	sbarrier.arrive $0xFFFF  }
0x6f: {  	s31 =	simm.s32 $0x2;
	[sflag:s2] =	ssyncpa.u1 $0x1  }
0x70: {  	[sflag:s31] =	ssyncpa.u1 $0x1  }
0x71: {  	p0 =	sne.s32 s0, $0x0;
	_ =	strace $0x90000047  }
0x72: {  	s0 =	sadd.s32 @!p0 $0x100000, s1;
	[bflag:$0x2] =	sbarrier.arrive $0xFFFF  }
0x73: {  	[sflag:s0] =	ssyncadd.tile.s32 @!p0 $0x1;
	_ =	shalt  }
.Lfunc_end1:
_tile_overlayer_lowered:
.L_overlay_start_2:
0x74: {  	(tag) =	ssettag $0x2  }
0x75: {  	s0 =	rddreg [dreg:$0x0];
	s2 =	stileid.u32  }
0x76: {  	s1 =	rddreg [dreg:$0x1];
	p0 =	sne.s32 s2, $0x0  }
0x77: {  	s3 =	rddreg [dreg:$0x2];
	[bflag:$0x3] =	sbarrier.arrive $0xFFFF;
	s2 =	simm.s32 @!p0 $0x1C01  }
0x78: {  	[timem:s3], [sflag:s2] =	dma.local @!p0 [hbm:s0], s1  }
0x79: {  	s0 =	simm.s32 @!p0 $0x1  }
0x7a: {  	_ =	swait.ge @!p0 [sflag:s0], s1  }
0x7b: {  	s1 =	ssub.s32 @!p0 $0x0, s1;
	[sflag:s0] =	ssyncset.done @!p0 $0x0  }
0x7c: {  	[sflag:s0] =	ssyncadd.s32 @!p0 s1  }
0x7d: {  	[bflag:$0x3] =	sbarrier.arrive $0xFFFF  }
0x7e: {  	_ =	shalt  }

</sc_bundles>
